<compile_context>
chip_gen: v7x
topology: tpu7x:2x2x1
jax: 0.10.2.dev20260603
libtpu: 0.0.44.dev20260713+nightly
codegen_flags: <defaults>
</compile_context>

<pallas_src>
import functools

import jax
import jax.numpy as jnp
from jax import lax
from jax.experimental import pallas as pl
from jax.experimental.pallas import tpu as pltpu
from jax.experimental.pallas import tpu_sc as plsc

_NC = 2
_NS = 16
_NW = _NC * _NS
_LANES = 16
_CHUNK = 32


def _tc_add_kernel(emb_ref, m0_ref, m1_ref, o0_ref, o1_ref):
    o0_ref[...] = m0_ref[...] + emb_ref[0:1, :]
    o1_ref[...] = m1_ref[...] + emb_ref[1:2, :]


def _sc_add_body(x_hbm, emb_hbm, out_hbm,
                 in0, in1, in2, emb_v,
                 l0, l1, l2, s0, s1, s2):
    D = emb_hbm.shape[0]
    n_rows = x_hbm.shape[0]
    rows_per_w = n_rows // _NW
    wid = lax.axis_index("s") * _NC + lax.axis_index("c")
    base = wid * rows_per_w
    pltpu.sync_copy(emb_hbm, emb_v)

    ins = (in0, in1, in2)
    lsems = (l0, l1, l2)
    ssems = (s0, s1, s2)
    nb = 3
    n_chunks = rows_per_w // _CHUNK
    loads = [None] * nb
    stores = [None] * nb

    def _load(ci):
        p = ci % nb
        loads[p] = pltpu.async_copy(
            x_hbm.at[pl.ds(base + ci * _CHUNK, _CHUNK)], ins[p], lsems[p])

    for ci in range(min(nb - 1, n_chunks)):
        _load(ci)
    for ci in range(n_chunks):
        p = ci % nb
        loads[p].wait()
        stores[p] = pltpu.async_copy(
            ins[p], out_hbm.at[pl.ds(base + ci * _CHUNK, _CHUNK)], ssems[p])
        nxt = ci + nb - 1
        if nxt < n_chunks:
            pn = nxt % nb
            if stores[pn] is not None:
                stores[pn].wait()
            _load(nxt)

    for p in range(nb):
        if stores[p] is not None:
            stores[p].wait()


def _sc_add(x, emb_row):
    n_rows, D = x.shape
    mesh = plsc.VectorSubcoreMesh(core_axis_name="c", subcore_axis_name="s")
    f = functools.partial(
        pl.kernel,
        mesh=mesh,
        out_type=jax.ShapeDtypeStruct((n_rows, D), jnp.float32),
        scratch_types=[
            pltpu.VMEM((_CHUNK, D), jnp.float32),
            pltpu.VMEM((_CHUNK, D), jnp.float32),
            pltpu.VMEM((_CHUNK, D), jnp.float32),
            pltpu.VMEM((D,), jnp.float32),
            pltpu.SemaphoreType.DMA,
            pltpu.SemaphoreType.DMA,
            pltpu.SemaphoreType.DMA,
            pltpu.SemaphoreType.DMA,
            pltpu.SemaphoreType.DMA,
            pltpu.SemaphoreType.DMA,
        ],
    )(_sc_add_body)
    return f(x, emb_row)


def kernel(mod0, mod1, mod2, emb):
    B, L, D = mod0.shape
    N = B * L
    R = 1024
    x0 = mod0.reshape(N, D)
    x1 = mod1.reshape(N, D)
    x2 = mod2.reshape(N, D)

    out2 = _sc_add(x2, emb[2])

    row_spec = pl.BlockSpec((R, D), lambda i: (i, 0))
    out0, out1 = pl.pallas_call(
        _tc_add_kernel,
        grid=(N // R,),
        in_specs=[
            pl.BlockSpec((emb.shape[0], D), lambda i: (0, 0)),
            row_spec, row_spec,
        ],
        out_specs=[row_spec, row_spec],
        out_shape=[jax.ShapeDtypeStruct((N, D), jnp.float32)] * 2,
    )(emb, x0, x1)

    return (out0.reshape(B, L, D), out1.reshape(B, L, D),
            out2.reshape(B, L, D))

# --- scband reference (transcript-rebuilt; emitter-appended) ---
"""Pipeline reference for scband-modality-embedding-4715874091526 (READ-ONLY COPY).

The authoritative reference and input builder live on the scoring server;
editing this copy changes nothing except your own understanding.
"""

import jax, jax.numpy as jnp
import numpy as np

NUM_MODALITY = 4
D_MODEL = 1024
B, L = 4, 2048

def setup_inputs(seed: int = 0) -> dict:
    key = jax.random.key(seed)
    k0, k1, k2, k3 = jax.random.split(key, 4)
    mod0 = jax.random.normal(k0, (B, L, D_MODEL), dtype=jnp.float32)
    mod1 = jax.random.normal(k1, (B, L, D_MODEL), dtype=jnp.float32)
    mod2 = jax.random.normal(k2, (B, L, D_MODEL), dtype=jnp.float32)
    emb = jax.random.normal(k3, (NUM_MODALITY, D_MODEL), dtype=jnp.float32) * 0.02
    return {"mod0": mod0, "mod1": mod1, "mod2": mod2, "emb": emb}

def reference(mod0, mod1, mod2, emb):
    # Faithful translation of ModalityEmbedding.forward: for each entry in the
    # dict, build modality_val = zeros(val.shape[1]) + modality_idx (an int
    # index vector of length L), look it up in the embedding table (gather),
    # and add (broadcast over batch dim).
    vals = (mod0, mod1, mod2)
    outs = []
    for modality_idx, val in enumerate(vals):
        Lcur = val.shape[1]
        modality_val = (jnp.zeros((Lcur,)) + modality_idx).astype(jnp.int32)
        modality = jnp.take(emb, modality_val, axis=0)  # [L, d_model]
        outs.append(val + modality)
    return tuple(outs)

if __name__ == "__main__":
    import jax
    _d = setup_inputs()
    print(jax.jit(kernel)(*tuple(_d.values())))

</pallas_src>

<mosaic_0001>
#map = affine_map<(d0, d1) -> (0, 0)>
#map1 = affine_map<(d0, d1) -> (0)>
module attributes {stable_mosaic.version = 14 : i64} {
  func.func @_sc_add_body(%arg0: i32, %arg1: i32, %arg2: memref<8192x1024xf32, #tpu.memory_space<hbm>>, %arg3: memref<1024xf32, #tpu.memory_space<hbm>>, %arg4: memref<8192x1024xf32, #tpu.memory_space<hbm>>, %arg5: memref<32x1024xf32, #tpu.memory_space<vmem>>, %arg6: memref<32x1024xf32, #tpu.memory_space<vmem>>, %arg7: memref<32x1024xf32, #tpu.memory_space<vmem>>, %arg8: memref<1024xf32, #tpu.memory_space<vmem>>, %arg9: memref<!tpu.dma_semaphore, #tpu.memory_space<semaphore_mem>>, %arg10: memref<!tpu.dma_semaphore, #tpu.memory_space<semaphore_mem>>, %arg11: memref<!tpu.dma_semaphore, #tpu.memory_space<semaphore_mem>>, %arg12: memref<!tpu.dma_semaphore, #tpu.memory_space<semaphore_mem>>, %arg13: memref<!tpu.dma_semaphore, #tpu.memory_space<semaphore_mem>>, %arg14: memref<!tpu.dma_semaphore, #tpu.memory_space<semaphore_mem>>) attributes {dimension_semantics = [#tpu.dimension_semantics<core_parallel>, #tpu.dimension_semantics<subcore_parallel>], iteration_bounds = array<i64: 2, 16>, scalar_prefetch = 0 : i64, scratch_operands = 10 : i64, tpu.core_type = #tpu.core_type<sc_vector_subcore>, window_params = [{transform_indices = #map}, {transform_indices = #map1}, {transform_indices = #map}]} {
    %mul3A = arith.constant 2 : i32
    %mul3A_0 = arith.muli %arg1, %mul3A : i32
    %add3A = arith.addi %mul3A_0, %arg0 : i32
    %mul3A_1 = arith.constant 256 : i32
    %mul3A_2 = arith.muli %add3A, %mul3A_1 : i32
    "tpu.region"() ({
      %run_scoped3A = tpu.sem_alloc : memref<!tpu.dma_semaphore, #tpu.memory_space<semaphore_mem>>
      tpu.enqueue_dma source(%arg3 : memref<1024xf32, #tpu.memory_space<hbm>>) target(%arg8 : memref<1024xf32, #tpu.memory_space<vmem>>) target_semaphore(%run_scoped3A : memref<!tpu.dma_semaphore, #tpu.memory_space<semaphore_mem>>)
      tpu.wait_dma2 semaphore(%run_scoped3A : memref<!tpu.dma_semaphore, #tpu.memory_space<semaphore_mem>>) src(%arg3 : memref<1024xf32, #tpu.memory_space<hbm>>) dst(%arg8 : memref<1024xf32, #tpu.memory_space<vmem>>)
      tpu.yield
    }) : () -> ()
    %add3A_3 = arith.constant 0 : i32
    %add3A_4 = arith.addi %mul3A_2, %add3A_3 : i32
    %dma_start3A = arith.constant 0 : i32
    %dma_start3A_5 = tpu.memref_slice %arg2[%add3A_4, %dma_start3A] : memref<8192x1024xf32, #tpu.memory_space<hbm>> -> memref<32x1024xf32, #tpu.memory_space<hbm>>
    %dma_start3A_6 = arith.constant 0 : i32
    %dma_start3A_7 = tpu.memref_slice %arg2[%add3A_4, %dma_start3A_6] : memref<8192x1024xf32, #tpu.memory_space<hbm>> -> memref<32x1024xf32, #tpu.memory_space<hbm>>
    tpu.enqueue_dma source(%dma_start3A_7 : memref<32x1024xf32, #tpu.memory_space<hbm>>) target(%arg5 : memref<32x1024xf32, #tpu.memory_space<vmem>>) target_semaphore(%arg9 : memref<!tpu.dma_semaphore, #tpu.memory_space<semaphore_mem>>)
    %add3A_8 = arith.constant 32 : i32
    %add3A_9 = arith.addi %mul3A_2, %add3A_8 : i32
    %dma_start3A_10 = arith.constant 0 : i32
    %dma_start3A_11 = tpu.memref_slice %arg2[%add3A_9, %dma_start3A_10] : memref<8192x1024xf32, #tpu.memory_space<hbm>> -> memref<32x1024xf32, #tpu.memory_space<hbm>>
    %dma_start3A_12 = arith.constant 0 : i32
    %dma_start3A_13 = tpu.memref_slice %arg2[%add3A_9, %dma_start3A_12] : memref<8192x1024xf32, #tpu.memory_space<hbm>> -> memref<32x1024xf32, #tpu.memory_space<hbm>>
    tpu.enqueue_dma source(%dma_start3A_13 : memref<32x1024xf32, #tpu.memory_space<hbm>>) target(%arg6 : memref<32x1024xf32, #tpu.memory_space<vmem>>) target_semaphore(%arg10 : memref<!tpu.dma_semaphore, #tpu.memory_space<semaphore_mem>>)
    %dma_wait3A = arith.constant 0 : i32
    %dma_wait3A_14 = tpu.memref_slice %arg2[%add3A_4, %dma_wait3A] : memref<8192x1024xf32, #tpu.memory_space<hbm>> -> memref<32x1024xf32, #tpu.memory_space<hbm>>
    %dma_wait3A_15 = arith.constant 0 : i32
    %dma_wait3A_16 = tpu.memref_slice %arg2[%add3A_4, %dma_wait3A_15] : memref<8192x1024xf32, #tpu.memory_space<hbm>> -> memref<32x1024xf32, #tpu.memory_space<hbm>>
    tpu.wait_dma2 semaphore(%arg9 : memref<!tpu.dma_semaphore, #tpu.memory_space<semaphore_mem>>) src(%dma_wait3A_16 : memref<32x1024xf32, #tpu.memory_space<hbm>>) dst(%arg5 : memref<32x1024xf32, #tpu.memory_space<vmem>>)
    %add3A_17 = arith.constant 0 : i32
    %add3A_18 = arith.addi %mul3A_2, %add3A_17 : i32
    %dma_start3A_19 = arith.constant 0 : i32
    %dma_start3A_20 = tpu.memref_slice %arg4[%add3A_18, %dma_start3A_19] : memref<8192x1024xf32, #tpu.memory_space<hbm>> -> memref<32x1024xf32, #tpu.memory_space<hbm>>
    %dma_start3A_21 = arith.constant 0 : i32
    %dma_start3A_22 = tpu.memref_slice %arg4[%add3A_18, %dma_start3A_21] : memref<8192x1024xf32, #tpu.memory_space<hbm>> -> memref<32x1024xf32, #tpu.memory_space<hbm>>
    tpu.enqueue_dma source(%arg5 : memref<32x1024xf32, #tpu.memory_space<vmem>>) target(%dma_start3A_22 : memref<32x1024xf32, #tpu.memory_space<hbm>>) target_semaphore(%arg12 : memref<!tpu.dma_semaphore, #tpu.memory_space<semaphore_mem>>)
    %add3A_23 = arith.constant 64 : i32
    %add3A_24 = arith.addi %mul3A_2, %add3A_23 : i32
    %dma_start3A_25 = arith.constant 0 : i32
    %dma_start3A_26 = tpu.memref_slice %arg2[%add3A_24, %dma_start3A_25] : memref<8192x1024xf32, #tpu.memory_space<hbm>> -> memref<32x1024xf32, #tpu.memory_space<hbm>>
    %dma_start3A_27 = arith.constant 0 : i32
    %dma_start3A_28 = tpu.memref_slice %arg2[%add3A_24, %dma_start3A_27] : memref<8192x1024xf32, #tpu.memory_space<hbm>> -> memref<32x1024xf32, #tpu.memory_space<hbm>>
    tpu.enqueue_dma source(%dma_start3A_28 : memref<32x1024xf32, #tpu.memory_space<hbm>>) target(%arg7 : memref<32x1024xf32, #tpu.memory_space<vmem>>) target_semaphore(%arg11 : memref<!tpu.dma_semaphore, #tpu.memory_space<semaphore_mem>>)
    %dma_wait3A_29 = arith.constant 0 : i32
    %dma_wait3A_30 = tpu.memref_slice %arg2[%add3A_9, %dma_wait3A_29] : memref<8192x1024xf32, #tpu.memory_space<hbm>> -> memref<32x1024xf32, #tpu.memory_space<hbm>>
    %dma_wait3A_31 = arith.constant 0 : i32
    %dma_wait3A_32 = tpu.memref_slice %arg2[%add3A_9, %dma_wait3A_31] : memref<8192x1024xf32, #tpu.memory_space<hbm>> -> memref<32x1024xf32, #tpu.memory_space<hbm>>
    tpu.wait_dma2 semaphore(%arg10 : memref<!tpu.dma_semaphore, #tpu.memory_space<semaphore_mem>>) src(%dma_wait3A_32 : memref<32x1024xf32, #tpu.memory_space<hbm>>) dst(%arg6 : memref<32x1024xf32, #tpu.memory_space<vmem>>)
    %add3A_33 = arith.constant 32 : i32
    %add3A_34 = arith.addi %mul3A_2, %add3A_33 : i32
    %dma_start3A_35 = arith.constant 0 : i32
    %dma_start3A_36 = tpu.memref_slice %arg4[%add3A_34, %dma_start3A_35] : memref<8192x1024xf32, #tpu.memory_space<hbm>> -> memref<32x1024xf32, #tpu.memory_space<hbm>>
    %dma_start3A_37 = arith.constant 0 : i32
    %dma_start3A_38 = tpu.memref_slice %arg4[%add3A_34, %dma_start3A_37] : memref<8192x1024xf32, #tpu.memory_space<hbm>> -> memref<32x1024xf32, #tpu.memory_space<hbm>>
    tpu.enqueue_dma source(%arg6 : memref<32x1024xf32, #tpu.memory_space<vmem>>) target(%dma_start3A_38 : memref<32x1024xf32, #tpu.memory_space<hbm>>) target_semaphore(%arg13 : memref<!tpu.dma_semaphore, #tpu.memory_space<semaphore_mem>>)
    %dma_wait3A_39 = arith.constant 0 : i32
    %dma_wait3A_40 = tpu.memref_slice %arg4[%add3A_18, %dma_wait3A_39] : memref<8192x1024xf32, #tpu.memory_space<hbm>> -> memref<32x1024xf32, #tpu.memory_space<hbm>>
    %dma_wait3A_41 = arith.constant 0 : i32
    %dma_wait3A_42 = tpu.memref_slice %arg4[%add3A_18, %dma_wait3A_41] : memref<8192x1024xf32, #tpu.memory_space<hbm>> -> memref<32x1024xf32, #tpu.memory_space<hbm>>
    tpu.wait_dma2 semaphore(%arg12 : memref<!tpu.dma_semaphore, #tpu.memory_space<semaphore_mem>>) src(%arg5 : memref<32x1024xf32, #tpu.memory_space<vmem>>) dst(%dma_wait3A_42 : memref<32x1024xf32, #tpu.memory_space<hbm>>)
    %add3A_43 = arith.constant 96 : i32
    %add3A_44 = arith.addi %mul3A_2, %add3A_43 : i32
    %dma_start3A_45 = arith.constant 0 : i32
    %dma_start3A_46 = tpu.memref_slice %arg2[%add3A_44, %dma_start3A_45] : memref<8192x1024xf32, #tpu.memory_space<hbm>> -> memref<32x1024xf32, #tpu.memory_space<hbm>>
    %dma_start3A_47 = arith.constant 0 : i32
    %dma_start3A_48 = tpu.memref_slice %arg2[%add3A_44, %dma_start3A_47] : memref<8192x1024xf32, #tpu.memory_space<hbm>> -> memref<32x1024xf32, #tpu.memory_space<hbm>>
    tpu.enqueue_dma source(%dma_start3A_48 : memref<32x1024xf32, #tpu.memory_space<hbm>>) target(%arg5 : memref<32x1024xf32, #tpu.memory_space<vmem>>) target_semaphore(%arg9 : memref<!tpu.dma_semaphore, #tpu.memory_space<semaphore_mem>>)
    %dma_wait3A_49 = arith.constant 0 : i32
    %dma_wait3A_50 = tpu.memref_slice %arg2[%add3A_24, %dma_wait3A_49] : memref<8192x1024xf32, #tpu.memory_space<hbm>> -> memref<32x1024xf32, #tpu.memory_space<hbm>>
    %dma_wait3A_51 = arith.constant 0 : i32
    %dma_wait3A_52 = tpu.memref_slice %arg2[%add3A_24, %dma_wait3A_51] : memref<8192x1024xf32, #tpu.memory_space<hbm>> -> memref<32x1024xf32, #tpu.memory_space<hbm>>
    tpu.wait_dma2 semaphore(%arg11 : memref<!tpu.dma_semaphore, #tpu.memory_space<semaphore_mem>>) src(%dma_wait3A_52 : memref<32x1024xf32, #tpu.memory_space<hbm>>) dst(%arg7 : memref<32x1024xf32, #tpu.memory_space<vmem>>)
    %add3A_53 = arith.constant 64 : i32
    %add3A_54 = arith.addi %mul3A_2, %add3A_53 : i32
    %dma_start3A_55 = arith.constant 0 : i32
    %dma_start3A_56 = tpu.memref_slice %arg4[%add3A_54, %dma_start3A_55] : memref<8192x1024xf32, #tpu.memory_space<hbm>> -> memref<32x1024xf32, #tpu.memory_space<hbm>>
    %dma_start3A_57 = arith.constant 0 : i32
    %dma_start3A_58 = tpu.memref_slice %arg4[%add3A_54, %dma_start3A_57] : memref<8192x1024xf32, #tpu.memory_space<hbm>> -> memref<32x1024xf32, #tpu.memory_space<hbm>>
    tpu.enqueue_dma source(%arg7 : memref<32x1024xf32, #tpu.memory_space<vmem>>) target(%dma_start3A_58 : memref<32x1024xf32, #tpu.memory_space<hbm>>) target_semaphore(%arg14 : memref<!tpu.dma_semaphore, #tpu.memory_space<semaphore_mem>>)
    %dma_wait3A_59 = arith.constant 0 : i32
    %dma_wait3A_60 = tpu.memref_slice %arg4[%add3A_34, %dma_wait3A_59] : memref<8192x1024xf32, #tpu.memory_space<hbm>> -> memref<32x1024xf32, #tpu.memory_space<hbm>>
    %dma_wait3A_61 = arith.constant 0 : i32
    %dma_wait3A_62 = tpu.memref_slice %arg4[%add3A_34, %dma_wait3A_61] : memref<8192x1024xf32, #tpu.memory_space<hbm>> -> memref<32x1024xf32, #tpu.memory_space<hbm>>
    tpu.wait_dma2 semaphore(%arg13 : memref<!tpu.dma_semaphore, #tpu.memory_space<semaphore_mem>>) src(%arg6 : memref<32x1024xf32, #tpu.memory_space<vmem>>) dst(%dma_wait3A_62 : memref<32x1024xf32, #tpu.memory_space<hbm>>)
    %add3A_63 = arith.constant 128 : i32
    %add3A_64 = arith.addi %mul3A_2, %add3A_63 : i32
    %dma_start3A_65 = arith.constant 0 : i32
    %dma_start3A_66 = tpu.memref_slice %arg2[%add3A_64, %dma_start3A_65] : memref<8192x1024xf32, #tpu.memory_space<hbm>> -> memref<32x1024xf32, #tpu.memory_space<hbm>>
    %dma_start3A_67 = arith.constant 0 : i32
    %dma_start3A_68 = tpu.memref_slice %arg2[%add3A_64, %dma_start3A_67] : memref<8192x1024xf32, #tpu.memory_space<hbm>> -> memref<32x1024xf32, #tpu.memory_space<hbm>>
    tpu.enqueue_dma source(%dma_start3A_68 : memref<32x1024xf32, #tpu.memory_space<hbm>>) target(%arg6 : memref<32x1024xf32, #tpu.memory_space<vmem>>) target_semaphore(%arg10 : memref<!tpu.dma_semaphore, #tpu.memory_space<semaphore_mem>>)
    %dma_wait3A_69 = arith.constant 0 : i32
    %dma_wait3A_70 = tpu.memref_slice %arg2[%add3A_44, %dma_wait3A_69] : memref<8192x1024xf32, #tpu.memory_space<hbm>> -> memref<32x1024xf32, #tpu.memory_space<hbm>>
    %dma_wait3A_71 = arith.constant 0 : i32
    %dma_wait3A_72 = tpu.memref_slice %arg2[%add3A_44, %dma_wait3A_71] : memref<8192x1024xf32, #tpu.memory_space<hbm>> -> memref<32x1024xf32, #tpu.memory_space<hbm>>
    tpu.wait_dma2 semaphore(%arg9 : memref<!tpu.dma_semaphore, #tpu.memory_space<semaphore_mem>>) src(%dma_wait3A_72 : memref<32x1024xf32, #tpu.memory_space<hbm>>) dst(%arg5 : memref<32x1024xf32, #tpu.memory_space<vmem>>)
    %add3A_73 = arith.constant 96 : i32
    %add3A_74 = arith.addi %mul3A_2, %add3A_73 : i32
    %dma_start3A_75 = arith.constant 0 : i32
    %dma_start3A_76 = tpu.memref_slice %arg4[%add3A_74, %dma_start3A_75] : memref<8192x1024xf32, #tpu.memory_space<hbm>> -> memref<32x1024xf32, #tpu.memory_space<hbm>>
    %dma_start3A_77 = arith.constant 0 : i32
    %dma_start3A_78 = tpu.memref_slice %arg4[%add3A_74, %dma_start3A_77] : memref<8192x1024xf32, #tpu.memory_space<hbm>> -> memref<32x1024xf32, #tpu.memory_space<hbm>>
    tpu.enqueue_dma source(%arg5 : memref<32x1024xf32, #tpu.memory_space<vmem>>) target(%dma_start3A_78 : memref<32x1024xf32, #tpu.memory_space<hbm>>) target_semaphore(%arg12 : memref<!tpu.dma_semaphore, #tpu.memory_space<semaphore_mem>>)
    %dma_wait3A_79 = arith.constant 0 : i32
    %dma_wait3A_80 = tpu.memref_slice %arg4[%add3A_54, %dma_wait3A_79] : memref<8192x1024xf32, #tpu.memory_space<hbm>> -> memref<32x1024xf32, #tpu.memory_space<hbm>>
    %dma_wait3A_81 = arith.constant 0 : i32
    %dma_wait3A_82 = tpu.memref_slice %arg4[%add3A_54, %dma_wait3A_81] : memref<8192x1024xf32, #tpu.memory_space<hbm>> -> memref<32x1024xf32, #tpu.memory_space<hbm>>
    tpu.wait_dma2 semaphore(%arg14 : memref<!tpu.dma_semaphore, #tpu.memory_space<semaphore_mem>>) src(%arg7 : memref<32x1024xf32, #tpu.memory_space<vmem>>) dst(%dma_wait3A_82 : memref<32x1024xf32, #tpu.memory_space<hbm>>)
    %add3A_83 = arith.constant 160 : i32
    %add3A_84 = arith.addi %mul3A_2, %add3A_83 : i32
    %dma_start3A_85 = arith.constant 0 : i32
    %dma_start3A_86 = tpu.memref_slice %arg2[%add3A_84, %dma_start3A_85] : memref<8192x1024xf32, #tpu.memory_space<hbm>> -> memref<32x1024xf32, #tpu.memory_space<hbm>>
    %dma_start3A_87 = arith.constant 0 : i32
    %dma_start3A_88 = tpu.memref_slice %arg2[%add3A_84, %dma_start3A_87] : memref<8192x1024xf32, #tpu.memory_space<hbm>> -> memref<32x1024xf32, #tpu.memory_space<hbm>>
    tpu.enqueue_dma source(%dma_start3A_88 : memref<32x1024xf32, #tpu.memory_space<hbm>>) target(%arg7 : memref<32x1024xf32, #tpu.memory_space<vmem>>) target_semaphore(%arg11 : memref<!tpu.dma_semaphore, #tpu.memory_space<semaphore_mem>>)
    %dma_wait3A_89 = arith.constant 0 : i32
    %dma_wait3A_90 = tpu.memref_slice %arg2[%add3A_64, %dma_wait3A_89] : memref<8192x1024xf32, #tpu.memory_space<hbm>> -> memref<32x1024xf32, #tpu.memory_space<hbm>>
    %dma_wait3A_91 = arith.constant 0 : i32
    %dma_wait3A_92 = tpu.memref_slice %arg2[%add3A_64, %dma_wait3A_91] : memref<8192x1024xf32, #tpu.memory_space<hbm>> -> memref<32x1024xf32, #tpu.memory_space<hbm>>
    tpu.wait_dma2 semaphore(%arg10 : memref<!tpu.dma_semaphore, #tpu.memory_space<semaphore_mem>>) src(%dma_wait3A_92 : memref<32x1024xf32, #tpu.memory_space<hbm>>) dst(%arg6 : memref<32x1024xf32, #tpu.memory_space<vmem>>)
    %add3A_93 = arith.constant 128 : i32
    %add3A_94 = arith.addi %mul3A_2, %add3A_93 : i32
    %dma_start3A_95 = arith.constant 0 : i32
    %dma_start3A_96 = tpu.memref_slice %arg4[%add3A_94, %dma_start3A_95] : memref<8192x1024xf32, #tpu.memory_space<hbm>> -> memref<32x1024xf32, #tpu.memory_space<hbm>>
    %dma_start3A_97 = arith.constant 0 : i32
    %dma_start3A_98 = tpu.memref_slice %arg4[%add3A_94, %dma_start3A_97] : memref<8192x1024xf32, #tpu.memory_space<hbm>> -> memref<32x1024xf32, #tpu.memory_space<hbm>>
    tpu.enqueue_dma source(%arg6 : memref<32x1024xf32, #tpu.memory_space<vmem>>) target(%dma_start3A_98 : memref<32x1024xf32, #tpu.memory_space<hbm>>) target_semaphore(%arg13 : memref<!tpu.dma_semaphore, #tpu.memory_space<semaphore_mem>>)
    %dma_wait3A_99 = arith.constant 0 : i32
    %dma_wait3A_100 = tpu.memref_slice %arg4[%add3A_74, %dma_wait3A_99] : memref<8192x1024xf32, #tpu.memory_space<hbm>> -> memref<32x1024xf32, #tpu.memory_space<hbm>>
    %dma_wait3A_101 = arith.constant 0 : i32
    %dma_wait3A_102 = tpu.memref_slice %arg4[%add3A_74, %dma_wait3A_101] : memref<8192x1024xf32, #tpu.memory_space<hbm>> -> memref<32x1024xf32, #tpu.memory_space<hbm>>
    tpu.wait_dma2 semaphore(%arg12 : memref<!tpu.dma_semaphore, #tpu.memory_space<semaphore_mem>>) src(%arg5 : memref<32x1024xf32, #tpu.memory_space<vmem>>) dst(%dma_wait3A_102 : memref<32x1024xf32, #tpu.memory_space<hbm>>)
    %add3A_103 = arith.constant 192 : i32
    %add3A_104 = arith.addi %mul3A_2, %add3A_103 : i32
    %dma_start3A_105 = arith.constant 0 : i32
    %dma_start3A_106 = tpu.memref_slice %arg2[%add3A_104, %dma_start3A_105] : memref<8192x1024xf32, #tpu.memory_space<hbm>> -> memref<32x1024xf32, #tpu.memory_space<hbm>>
    %dma_start3A_107 = arith.constant 0 : i32
    %dma_start3A_108 = tpu.memref_slice %arg2[%add3A_104, %dma_start3A_107] : memref<8192x1024xf32, #tpu.memory_space<hbm>> -> memref<32x1024xf32, #tpu.memory_space<hbm>>
    tpu.enqueue_dma source(%dma_start3A_108 : memref<32x1024xf32, #tpu.memory_space<hbm>>) target(%arg5 : memref<32x1024xf32, #tpu.memory_space<vmem>>) target_semaphore(%arg9 : memref<!tpu.dma_semaphore, #tpu.memory_space<semaphore_mem>>)
    %dma_wait3A_109 = arith.constant 0 : i32
    %dma_wait3A_110 = tpu.memref_slice %arg2[%add3A_84, %dma_wait3A_109] : memref<8192x1024xf32, #tpu.memory_space<hbm>> -> memref<32x1024xf32, #tpu.memory_space<hbm>>
    %dma_wait3A_111 = arith.constant 0 : i32
    %dma_wait3A_112 = tpu.memref_slice %arg2[%add3A_84, %dma_wait3A_111] : memref<8192x1024xf32, #tpu.memory_space<hbm>> -> memref<32x1024xf32, #tpu.memory_space<hbm>>
    tpu.wait_dma2 semaphore(%arg11 : memref<!tpu.dma_semaphore, #tpu.memory_space<semaphore_mem>>) src(%dma_wait3A_112 : memref<32x1024xf32, #tpu.memory_space<hbm>>) dst(%arg7 : memref<32x1024xf32, #tpu.memory_space<vmem>>)
    %add3A_113 = arith.constant 160 : i32
    %add3A_114 = arith.addi %mul3A_2, %add3A_113 : i32
    %dma_start3A_115 = arith.constant 0 : i32
    %dma_start3A_116 = tpu.memref_slice %arg4[%add3A_114, %dma_start3A_115] : memref<8192x1024xf32, #tpu.memory_space<hbm>> -> memref<32x1024xf32, #tpu.memory_space<hbm>>
    %dma_start3A_117 = arith.constant 0 : i32
    %dma_start3A_118 = tpu.memref_slice %arg4[%add3A_114, %dma_start3A_117] : memref<8192x1024xf32, #tpu.memory_space<hbm>> -> memref<32x1024xf32, #tpu.memory_space<hbm>>
    tpu.enqueue_dma source(%arg7 : memref<32x1024xf32, #tpu.memory_space<vmem>>) target(%dma_start3A_118 : memref<32x1024xf32, #tpu.memory_space<hbm>>) target_semaphore(%arg14 : memref<!tpu.dma_semaphore, #tpu.memory_space<semaphore_mem>>)
    %dma_wait3A_119 = arith.constant 0 : i32
    %dma_wait3A_120 = tpu.memref_slice %arg4[%add3A_94, %dma_wait3A_119] : memref<8192x1024xf32, #tpu.memory_space<hbm>> -> memref<32x1024xf32, #tpu.memory_space<hbm>>
    %dma_wait3A_121 = arith.constant 0 : i32
    %dma_wait3A_122 = tpu.memref_slice %arg4[%add3A_94, %dma_wait3A_121] : memref<8192x1024xf32, #tpu.memory_space<hbm>> -> memref<32x1024xf32, #tpu.memory_space<hbm>>
    tpu.wait_dma2 semaphore(%arg13 : memref<!tpu.dma_semaphore, #tpu.memory_space<semaphore_mem>>) src(%arg6 : memref<32x1024xf32, #tpu.memory_space<vmem>>) dst(%dma_wait3A_122 : memref<32x1024xf32, #tpu.memory_space<hbm>>)
    %add3A_123 = arith.constant 224 : i32
    %add3A_124 = arith.addi %mul3A_2, %add3A_123 : i32
    %dma_start3A_125 = arith.constant 0 : i32
    %dma_start3A_126 = tpu.memref_slice %arg2[%add3A_124, %dma_start3A_125] : memref<8192x1024xf32, #tpu.memory_space<hbm>> -> memref<32x1024xf32, #tpu.memory_space<hbm>>
    %dma_start3A_127 = arith.constant 0 : i32
    %dma_start3A_128 = tpu.memref_slice %arg2[%add3A_124, %dma_start3A_127] : memref<8192x1024xf32, #tpu.memory_space<hbm>> -> memref<32x1024xf32, #tpu.memory_space<hbm>>
    tpu.enqueue_dma source(%dma_start3A_128 : memref<32x1024xf32, #tpu.memory_space<hbm>>) target(%arg6 : memref<32x1024xf32, #tpu.memory_space<vmem>>) target_semaphore(%arg10 : memref<!tpu.dma_semaphore, #tpu.memory_space<semaphore_mem>>)
    %dma_wait3A_129 = arith.constant 0 : i32
    %dma_wait3A_130 = tpu.memref_slice %arg2[%add3A_104, %dma_wait3A_129] : memref<8192x1024xf32, #tpu.memory_space<hbm>> -> memref<32x1024xf32, #tpu.memory_space<hbm>>
    %dma_wait3A_131 = arith.constant 0 : i32
    %dma_wait3A_132 = tpu.memref_slice %arg2[%add3A_104, %dma_wait3A_131] : memref<8192x1024xf32, #tpu.memory_space<hbm>> -> memref<32x1024xf32, #tpu.memory_space<hbm>>
    tpu.wait_dma2 semaphore(%arg9 : memref<!tpu.dma_semaphore, #tpu.memory_space<semaphore_mem>>) src(%dma_wait3A_132 : memref<32x1024xf32, #tpu.memory_space<hbm>>) dst(%arg5 : memref<32x1024xf32, #tpu.memory_space<vmem>>)
    %add3A_133 = arith.constant 192 : i32
    %add3A_134 = arith.addi %mul3A_2, %add3A_133 : i32
    %dma_start3A_135 = arith.constant 0 : i32
    %dma_start3A_136 = tpu.memref_slice %arg4[%add3A_134, %dma_start3A_135] : memref<8192x1024xf32, #tpu.memory_space<hbm>> -> memref<32x1024xf32, #tpu.memory_space<hbm>>
    %dma_start3A_137 = arith.constant 0 : i32
    %dma_start3A_138 = tpu.memref_slice %arg4[%add3A_134, %dma_start3A_137] : memref<8192x1024xf32, #tpu.memory_space<hbm>> -> memref<32x1024xf32, #tpu.memory_space<hbm>>
    tpu.enqueue_dma source(%arg5 : memref<32x1024xf32, #tpu.memory_space<vmem>>) target(%dma_start3A_138 : memref<32x1024xf32, #tpu.memory_space<hbm>>) target_semaphore(%arg12 : memref<!tpu.dma_semaphore, #tpu.memory_space<semaphore_mem>>)
    %dma_wait3A_139 = arith.constant 0 : i32
    %dma_wait3A_140 = tpu.memref_slice %arg2[%add3A_124, %dma_wait3A_139] : memref<8192x1024xf32, #tpu.memory_space<hbm>> -> memref<32x1024xf32, #tpu.memory_space<hbm>>
    %dma_wait3A_141 = arith.constant 0 : i32
    %dma_wait3A_142 = tpu.memref_slice %arg2[%add3A_124, %dma_wait3A_141] : memref<8192x1024xf32, #tpu.memory_space<hbm>> -> memref<32x1024xf32, #tpu.memory_space<hbm>>
    tpu.wait_dma2 semaphore(%arg10 : memref<!tpu.dma_semaphore, #tpu.memory_space<semaphore_mem>>) src(%dma_wait3A_142 : memref<32x1024xf32, #tpu.memory_space<hbm>>) dst(%arg6 : memref<32x1024xf32, #tpu.memory_space<vmem>>)
    %add3A_143 = arith.constant 224 : i32
    %add3A_144 = arith.addi %mul3A_2, %add3A_143 : i32
    %dma_start3A_145 = arith.constant 0 : i32
    %dma_start3A_146 = tpu.memref_slice %arg4[%add3A_144, %dma_start3A_145] : memref<8192x1024xf32, #tpu.memory_space<hbm>> -> memref<32x1024xf32, #tpu.memory_space<hbm>>
    %dma_start3A_147 = arith.constant 0 : i32
    %dma_start3A_148 = tpu.memref_slice %arg4[%add3A_144, %dma_start3A_147] : memref<8192x1024xf32, #tpu.memory_space<hbm>> -> memref<32x1024xf32, #tpu.memory_space<hbm>>
    tpu.enqueue_dma source(%arg6 : memref<32x1024xf32, #tpu.memory_space<vmem>>) target(%dma_start3A_148 : memref<32x1024xf32, #tpu.memory_space<hbm>>) target_semaphore(%arg13 : memref<!tpu.dma_semaphore, #tpu.memory_space<semaphore_mem>>)
    %dma_wait3A_149 = arith.constant 0 : i32
    %dma_wait3A_150 = tpu.memref_slice %arg4[%add3A_134, %dma_wait3A_149] : memref<8192x1024xf32, #tpu.memory_space<hbm>> -> memref<32x1024xf32, #tpu.memory_space<hbm>>
    %dma_wait3A_151 = arith.constant 0 : i32
    %dma_wait3A_152 = tpu.memref_slice %arg4[%add3A_134, %dma_wait3A_151] : memref<8192x1024xf32, #tpu.memory_space<hbm>> -> memref<32x1024xf32, #tpu.memory_space<hbm>>
    tpu.wait_dma2 semaphore(%arg12 : memref<!tpu.dma_semaphore, #tpu.memory_space<semaphore_mem>>) src(%arg5 : memref<32x1024xf32, #tpu.memory_space<vmem>>) dst(%dma_wait3A_152 : memref<32x1024xf32, #tpu.memory_space<hbm>>)
    %dma_wait3A_153 = arith.constant 0 : i32
    %dma_wait3A_154 = tpu.memref_slice %arg4[%add3A_144, %dma_wait3A_153] : memref<8192x1024xf32, #tpu.memory_space<hbm>> -> memref<32x1024xf32, #tpu.memory_space<hbm>>
    %dma_wait3A_155 = arith.constant 0 : i32
    %dma_wait3A_156 = tpu.memref_slice %arg4[%add3A_144, %dma_wait3A_155] : memref<8192x1024xf32, #tpu.memory_space<hbm>> -> memref<32x1024xf32, #tpu.memory_space<hbm>>
    tpu.wait_dma2 semaphore(%arg13 : memref<!tpu.dma_semaphore, #tpu.memory_space<semaphore_mem>>) src(%arg6 : memref<32x1024xf32, #tpu.memory_space<vmem>>) dst(%dma_wait3A_156 : memref<32x1024xf32, #tpu.memory_space<hbm>>)
    %dma_wait3A_157 = arith.constant 0 : i32
    %dma_wait3A_158 = tpu.memref_slice %arg4[%add3A_114, %dma_wait3A_157] : memref<8192x1024xf32, #tpu.memory_space<hbm>> -> memref<32x1024xf32, #tpu.memory_space<hbm>>
    %dma_wait3A_159 = arith.constant 0 : i32
    %dma_wait3A_160 = tpu.memref_slice %arg4[%add3A_114, %dma_wait3A_159] : memref<8192x1024xf32, #tpu.memory_space<hbm>> -> memref<32x1024xf32, #tpu.memory_space<hbm>>
    tpu.wait_dma2 semaphore(%arg14 : memref<!tpu.dma_semaphore, #tpu.memory_space<semaphore_mem>>) src(%arg7 : memref<32x1024xf32, #tpu.memory_space<vmem>>) dst(%dma_wait3A_160 : memref<32x1024xf32, #tpu.memory_space<hbm>>)
    return
  }
}

module attributes {stable_mosaic.version = 14 : i64} {
  func.func @_tc_add_kernel(%arg0: i32, %arg1: memref<4x1024xf32, #tpu.memory_space<vmem>>, %arg2: memref<1024x1024xf32, #tpu.memory_space<vmem>>, %arg3: memref<1024x1024xf32, #tpu.memory_space<vmem>>, %arg4: memref<1024x1024xf32, #tpu.memory_space<vmem>>, %arg5: memref<1024x1024xf32, #tpu.memory_space<vmem>>) attributes {dimension_semantics = [#tpu.dimension_semantics<arbitrary>], iteration_bounds = array<i64: 8>, scalar_prefetch = 0 : i64, scratch_operands = 0 : i64, tpu.core_type = #tpu.core_type<tc>, window_params = [{pipeline_mode = #tpu.pipeline_mode<synchronous>, transform_indices = @transform_0, window_bounds = array<i64: 4, 1024>}, {transform_indices = @transform_1, window_bounds = array<i64: 1024, 1024>}, {transform_indices = @transform_2, window_bounds = array<i64: 1024, 1024>}, {transform_indices = @transform_3, window_bounds = array<i64: 1024, 1024>}, {transform_indices = @transform_4, window_bounds = array<i64: 1024, 1024>}]} {
    %get3A = arith.constant 0 : index
    %get3A_0 = arith.constant 0 : index
    %get3A_1 = vector.load %arg2[%get3A, %get3A_0] : memref<1024x1024xf32, #tpu.memory_space<vmem>>, vector<1024x1024xf32>
    %get3A_2 = arith.constant 0 : index
    %get3A_3 = arith.constant 0 : index
    %get3A_4 = vector.load %arg1[%get3A_2, %get3A_3] : memref<4x1024xf32, #tpu.memory_space<vmem>>, vector<1x1024xf32>
    %add3A = vector.broadcast %get3A_4 : vector<1x1024xf32> to vector<1024x1024xf32>
    %add3A_5 = arith.addf %get3A_1, %add3A : vector<1024x1024xf32>
    %swap3A = arith.constant 0 : index
    %swap3A_6 = arith.constant 0 : index
    %swap3A_7 = vector.load %arg4[%swap3A, %swap3A_6] : memref<1024x1024xf32, #tpu.memory_space<vmem>>, vector<1024x1024xf32>
    tpu.vector_store %arg4[%swap3A, %swap3A_6], %add3A_5 {strides = array<i32>} : memref<1024x1024xf32, #tpu.memory_space<vmem>>, vector<1024x1024xf32>,
    %get3A_8 = arith.constant 0 : index
    %get3A_9 = arith.constant 0 : index
    %get3A_10 = vector.load %arg3[%get3A_8, %get3A_9] : memref<1024x1024xf32, #tpu.memory_space<vmem>>, vector<1024x1024xf32>
    %get3A_11 = arith.constant 1 : index
    %get3A_12 = arith.constant 0 : index
    %get3A_13 = vector.load %arg1[%get3A_11, %get3A_12] : memref<4x1024xf32, #tpu.memory_space<vmem>>, vector<1x1024xf32>
    %add3A_14 = vector.broadcast %get3A_13 : vector<1x1024xf32> to vector<1024x1024xf32>
    %add3A_15 = arith.addf %get3A_10, %add3A_14 : vector<1024x1024xf32>
    %swap3A_16 = arith.constant 0 : index
    %swap3A_17 = arith.constant 0 : index
    %swap3A_18 = vector.load %arg5[%swap3A_16, %swap3A_17] : memref<1024x1024xf32, #tpu.memory_space<vmem>>, vector<1024x1024xf32>
    tpu.vector_store %arg5[%swap3A_16, %swap3A_17], %add3A_15 {strides = array<i32>} : memref<1024x1024xf32, #tpu.memory_space<vmem>>, vector<1024x1024xf32>,
    return
  }
  func.func @transform_0(%arg0: i32) -> (i32, i32) {
    %c0_i32 = arith.constant 0 : i32
    %c0_i32_0 = arith.constant 0 : i32
    %c0_i32_1 = arith.constant 0 : i32
    return %c0_i32, %c0_i32_0 : i32, i32
  }
  func.func @transform_1(%arg0: i32) -> (i32, i32) {
    %c0_i32 = arith.constant 0 : i32
    %c0_i32_0 = arith.constant 0 : i32
    return %arg0, %c0_i32 : i32, i32
  }
  func.func @transform_2(%arg0: i32) -> (i32, i32) {
    %c0_i32 = arith.constant 0 : i32
    %c0_i32_0 = arith.constant 0 : i32
    return %arg0, %c0_i32 : i32, i32
  }
  func.func @transform_3(%arg0: i32) -> (i32, i32) {
    %c0_i32 = arith.constant 0 : i32
    %c0_i32_0 = arith.constant 0 : i32
    return %arg0, %c0_i32 : i32, i32
  }
  func.func @transform_4(%arg0: i32) -> (i32, i32) {
    %c0_i32 = arith.constant 0 : i32
    %c0_i32_0 = arith.constant 0 : i32
    return %arg0, %c0_i32 : i32, i32
  }
}

</mosaic_0001>

<sc_bundles>
// kernel: kernel.4.cloned.1.call-start
scs
__scs_entry_jumppad:
0x0: {  	(pc) =	sbr.rel $0x88, $3  }
0x1: {  	(tag) =	ssettag $0x0;
	lr =	simm.s32 $0x1  }
0x2: {  	[smem:$0x3F9D] =	sst lr;
	_ =	strace $0xD0000000  }
0x3: {  	_ = 	snop  }
0x4: {  	_ = 	snop  }
0x5: {  	_ = 	snop  }
0x6: {  	_ = 	snop  }
0x7: {  	_ = 	snop  }
__scs_overlays_trampoline_lowered:
0x8: {  	[smem:$0x3FAC] =	sst s0  }
0x9: {  	[smem:$0x3FAD] =	sst s1  }
0xa: {  	[smem:$0x3FAE] =	sst s2  }
0xb: {  	[smem:$0x3FAF] =	sst s3  }
0xc: {  	[smem:$0x3FB0] =	sst s4  }
0xd: {  	[smem:$0x3FB1] =	sst s5  }
0xe: {  	[smem:$0x3FB2] =	sst s6  }
0xf: {  	[smem:$0x3FB3] =	sst s7  }
0x10: {  	[smem:$0x3FB4] =	sst s8  }
0x11: {  	[smem:$0x3FB5] =	sst s9;
	s0 =	simm.s32 @!p0 $0x0  }
0x12: {  	s1 =	sld [smem:$0x3F9B];
	s0 =	simm.s32 @p0 $0x1  }
0x13: {  	[smem:$0x3FB6] =	sst s0;
	s0 =	simm.s32 @!p1 $0x0  }
0x14: {  	s2 =	sld [smem:$0x3F9A];
	s0 =	simm.s32 @p1 $0x1  }
0x15: {  	[smem:$0x3FB7] =	sst s0;
	s0 =	simm.s32 @!p2 $0x0  }
0x16: {  	s3 =	sld [smem:$0x3FDB];
	s0 =	simm.s32 @p2 $0x1  }
0x17: {  	s4 =	simm.s32 $0x1BF5;
	[smem:$0x3FB9] =	sst s0  }
0x18: {  	s0 =	sld [smem:$0x3F9C];
	_ =	swait.ge [sflag:s4], $0x0  }
0x19: {  	s7 =	sld [smem:$0x3F9D]  }
0x1a: {  	s8 =	sadd.s32 $0xFFFFE003, lr  }
0x1b: {  	s9 =	sadd.s32 $0xFFFFFEF7, lr;
	s5 =	simm.s32 $0xFFFFFFFF;
	p2 =	slt.u32 s8, $0xFFFFF086  }
0x1c: {  	p1 =	slt.u32 s9, $0xF7A;
	s5 =	simm.s32 @!p2 $0x0  }
0x1d: {  	s5 =	simm.s32 @p1 $0x1;
	p0 =	seq.s32 s7, s2  }
0x1e: {  	s7 =	smul.u32 @!p0 $0xF7A, s2;
	p2 =	seq.s32 @!p0 s5, $0x0  }
0x1f: {  	s9 =	smul.u32 $0xF7A, s1;
	s8 =	simm.s32 @!p0 $0x1BF5;
	p2 =	por !p2, p0  }
0x20: {  	[sflag:s8] =	ssyncset.s32 @!p0 $0xFFFFF086;
	s6 =	sadd.s32 @!p0 s3, s7;
	s7 =	simm.s32 @!p0 $0x108  }
0x21: {  	s3 =	sadd.s32 s3, s9;
	s6 =	sadd.s32 @!p0 $0x88, s6;
	s7 =	simm.s32 @p2 $0x1082  }
0x22: {  	[simem:s7], [sflag:s8] =	dma.local @!p0 [hbm:s6], $0xF7A  }
0x23: {  	s9 =	sor.u32 $0xD0000000, s2;
	s6 =	simm.s32 $0x108;
	_ =	swait.ge @!p0 [sflag:s8], $0x0  }
0x24: {  	s3 =	sadd.s32 $0x88, s3;
	s6 =	simm.s32 @!p1 $0x1082;
	[sflag:s4] =	ssyncset.s32 $0xFFFFF086  }
0x25: {  	[simem:s6], [sflag:s4] =	dma.local [hbm:s3], $0xF7A  }
0x26: {  	[smem:$0x3F9D] =	sst s1;
	(tag) =	ssettag s2;
	_ =	strace s9  }
0x27: {  	s1 =	sld [smem:$0x3FAD]  }
0x28: {  	s2 =	sld [smem:$0x3FAE]  }
0x29: {  	s4 =	sld [smem:$0x3FB0]  }
0x2a: {  	p0 =	seq.s32 s5, $0x0;
	s5 =	sld [smem:$0x3FB1]  }
0x2b: {  	s6 =	sld [smem:$0x3FB2]  }
0x2c: {  	s7 =	sld [smem:$0x3FB3]  }
0x2d: {  	s3 =	simm.s32 $0x108;
	s8 =	sld [smem:$0x3FB4]  }
0x2e: {  	s3 =	simm.s32 @!p0 $0x1082;
	s9 =	sld [smem:$0x3FB5]  }
0x2f: {  	lr =	sadd.s32 s0, s3;
	s0 =	sld [smem:$0x3FAC]  }
0x30: {  	s3 =	sld [smem:$0x3FAF]  }
0x31: {  	[smem:$0x3FB8] =	sst s10  }
0x32: {  	s10 =	sld [smem:$0x3FB6];
	_ =	sdelay $0x3  }
0x33: {  	p0 =	seq.s32 s10, $0x1;
	s10 =	sld [smem:$0x3FB8];
	_ =	sdelay $0x3  }
0x34: {  	[smem:$0x3FB8] =	sst s10  }
0x35: {  	s10 =	sld [smem:$0x3FB7];
	_ =	sdelay $0x3  }
0x36: {  	p1 =	seq.s32 s10, $0x1;
	s10 =	sld [smem:$0x3FB8];
	_ =	sdelay $0x3  }
0x37: {  	[smem:$0x3FB8] =	sst s10  }
0x38: {  	s10 =	sld [smem:$0x3FB9]  }
0x39: {  	_ = 	snop;
	(pc) =	sbr.ind lr, $3  }
0x3a: {  	_ = 	snop  }
0x3b: {  	_ = 	snop  }
0x3c: {  	p2 =	seq.s32 s10, $0x1;
	s10 =	sld [smem:$0x3FB8]  }
0x3d: {  	_ =	shalt  }
0x3e: {  	_ =	shalt  }
0x3f: {  	_ =	shalt  }
0x40: {  	_ =	shalt  }
0x41: {  	_ =	shalt  }
0x42: {  	_ =	shalt  }
0x43: {  	_ =	shalt  }
0x44: {  	_ =	shalt  }
0x45: {  	_ =	shalt  }
0x46: {  	_ =	shalt  }
0x47: {  	_ =	shalt  }
0x48: {  	_ =	shalt  }
0x49: {  	_ =	shalt  }
0x4a: {  	_ =	shalt  }
0x4b: {  	_ =	shalt  }
0x4c: {  	_ =	shalt  }
0x4d: {  	_ =	shalt  }
0x4e: {  	_ =	shalt  }
0x4f: {  	_ =	shalt  }
0x50: {  	_ =	shalt  }
0x51: {  	_ =	shalt  }
0x52: {  	_ =	shalt  }
0x53: {  	_ =	shalt  }
0x54: {  	_ =	shalt  }
0x55: {  	_ =	shalt  }
0x56: {  	_ =	shalt  }
0x57: {  	_ =	shalt  }
0x58: {  	_ =	shalt  }
0x59: {  	_ =	shalt  }
0x5a: {  	_ =	shalt  }
0x5b: {  	_ =	shalt  }
0x5c: {  	_ =	shalt  }
0x5d: {  	_ =	shalt  }
0x5e: {  	_ =	shalt  }
0x5f: {  	_ =	shalt  }
0x60: {  	_ =	shalt  }
0x61: {  	_ =	shalt  }
0x62: {  	_ =	shalt  }
0x63: {  	_ =	shalt  }
0x64: {  	_ =	shalt  }
0x65: {  	_ =	shalt  }
0x66: {  	_ =	shalt  }
0x67: {  	_ =	shalt  }
0x68: {  	_ =	shalt  }
0x69: {  	_ =	shalt  }
0x6a: {  	_ =	shalt  }
0x6b: {  	_ =	shalt  }
0x6c: {  	_ =	shalt  }
0x6d: {  	_ =	shalt  }
0x6e: {  	_ =	shalt  }
0x6f: {  	_ =	shalt  }
0x70: {  	_ =	shalt  }
0x71: {  	_ =	shalt  }
0x72: {  	_ =	shalt  }
0x73: {  	_ =	shalt  }
0x74: {  	_ =	shalt  }
0x75: {  	_ =	shalt  }
0x76: {  	_ =	shalt  }
0x77: {  	_ =	shalt  }
0x78: {  	_ =	shalt  }
0x79: {  	_ =	shalt  }
0x7a: {  	_ =	shalt  }
0x7b: {  	_ =	shalt  }
0x7c: {  	_ =	shalt  }
0x7d: {  	_ =	shalt  }
0x7e: {  	_ =	shalt  }
0x7f: {  	_ =	shalt  }
0x80: {  	_ =	shalt  }
0x81: {  	_ =	shalt  }
0x82: {  	_ =	shalt  }
0x83: {  	_ =	shalt  }
0x84: {  	_ =	shalt  }
0x85: {  	_ =	shalt  }
0x86: {  	_ =	shalt  }
0x87: {  	_ =	shalt  }
.Lfunc_end0:
.L_simem_size_0:
called_computation_lowered:
.L_overlay_start_0:
0x88: {  	s2 =	sld [smem:$0x3FD9]  }
0x89: {  	s3 =	sld [smem:$0x3FFE];
	_ =	sdelay $0x1  }
0x8a: {  	s1 =	srdreg.scid  }
0x8b: {  	s0 =	sand.u32 $0x1, s1  }
0x8c: {  	s14 =	sshll.u32 s0, $0xA;
	s2 =	sadd.s32 s3, s2  }
0x8d: {  	s2 =	sadd.s32 s2, s14  }
0x8e: {  	[smem:$0x3FC4] =	sst s2  }
0x8f: {  	_ = 	snop  }
0x90: {  	s2 =	sld [smem:$0x3FD0];
	_ =	sdelay $0x2  }
0x91: {  	s4 =	simm.s32 $0xA;
	s5 =	simm.s32 $0x10;
	s15 =	sld [smem:$0x3FC7]  }
0x92: {  	[smem:s5], [sflag:s4] =	dma.local [hbm:s2], $0x1  }
0x93: {  	_ =	swait.eq [sflag:s4], $0x1  }
0x94: {  	[sflag:s4] =	ssyncset.done $0x0  }
0x95: {  	[sflag:s4] =	ssyncadd.s32 $0xFFFFFFFF  }
0x96: {  	s16 =	sld [smem:$0x12];
	(tm) =	ssettm $0x1  }
0x97: {  	s17 =	sld [smem:$0x3FFB];
	_ =	sdelay $0x3  }
0x98: {  	_ =	strace s17  }
0x99: {  	s4 =	sld [smem:$0x3FFC];
	_ =	sdelay $0x3  }
0x9a: {  	_ =	strace s4  }
0x9b: {  	s4 =	sld [smem:$0x3FFD];
	_ =	sdelay $0x3  }
0x9c: {  	_ =	strace s4  }
0x9d: {  	_ =	strace $0x8FFFFFFF  }
0x9e: {  	s18 =	sld [smem:$0x3FDB];
	_ =	sdelay $0x1  }
0x9f: {  	s19 =	simm.s32 $_scs_section_size  }
0xa0: {  	s6 =	simm.s32 $_size__tile_overlayer_lowered;
	s7 =	simm.s32 $_tile_overlayer_lowered  }
0xa1: {  	s22 =	simm.s32 $0x1BFF;
	s21 =	sshll.u32 s7, $0x1;
	s4 =	sadd.s32 s19, s18  }
0xa2: {  	s8 =	simm.s32 $0x0;
	s20 =	sshll.u32 s6, $0x1;
	s6 =	sadd.s32 s21, s4  }
0xa3: {  	[timem:s8], [sflag:s22] =	dma.local [hbm:s6], s20  }
0xa4: {  	_ =	swait.ge [sflag:s22], s20  }
0xa5: {  	s5 =	ssub.s32 $0x0, s20;
	[sflag:s22] =	ssyncset.done $0x0  }
0xa6: {  	[sflag:s22] =	ssyncadd.s32 s5;
	_ =	sdelay $0x1  }
0xa7: {  	s23 =	simm.s32 $0x1B8B  }
0xa8: {  	_ =	swait.ge [sflag:s23], $0x1  }
0xa9: {  	[sflag:s23] =	ssyncset.done $0x0  }
0xaa: {  	s25 =	simm.s32 $0x1B8E;
	s24 =	sld [smem:$0x3FFE];
	[sflag:s23] =	ssyncadd.s32 $0xFFFFFFFF  }
0xab: {  	s26 =	simm.s32 $execute0_lowered;
	[smem:$0x3FD2] =	sst s25  }
0xac: {  	s6 =	sshll.u32 s26, $0x1;
	_ =	strace $0x80000046;
	[dreg:$0x1] =	wrdreg $0xFFFFFFFF  }
0xad: {  	s28 =	simm.s32 $_size_execute0_lowered;
	s4 =	sadd.s32 s4, s6;
	[dreg:$0x0] =	wrdreg $0x0  }
0xae: {  	s6 =	sshll.u32 s28, $0x1;
	[dreg:$0x2] =	wrdreg s4  }
0xaf: {  	[dreg:$0x3] =	wrdreg s6  }
0xb0: {  	[dreg:$0x4] =	wrdreg $0xC0  }
0xb1: {  	_ =	task [dreg:s8], $0x5FFFF  }
0xb2: {  	[dreg:$0x1] =	wrdreg $0xFFFFFFFF  }
0xb3: {  	[dreg:$0x0] =	wrdreg $0x60  }
0xb4: {  	[dreg:$0x2] =	wrdreg s15  }
0xb5: {  	[dreg:$0x3] =	wrdreg s24  }
0xb6: {  	[dreg:$0x4] =	wrdreg s16  }
0xb7: {  	[dreg:$0x5] =	wrdreg $0x9  }
0xb8: {  	_ =	task.clear_ibuf [dreg:s8], $0x6FFFF;
	_ =	strace $0x90000046  }
0xb9: {  	s29 =	simm.s32 $0x9;
	_ =	strace $0x80000048  }
0xba: {  	_ =	swait.ge [sflag:s29], $0x1  }
0xbb: {  	[sflag:s29] =	ssyncadd.s32 $0xFFFFFFFF  }
0xbc: {  	_ =	strace $0x90000048  }
0xbd: {  	_ =	sfence  }
0xbe: {  	s30 =	sld [smem:$0x0];
	_ =	sdelay $0x2  }
0xbf: {  	s31 =	sshll.u32 s1, $0xD;
	s1 =	sshrl.u32 s1, $0x2  }
0xc0: {  	s3 =	sand.u32 $0x4000, s31;
	s1 =	sadd.s32 s1, s30  }
0xc1: {  	s0 =	sor.u32 s3, s0;
	s1 =	sshll.u32 s1, $0x11  }
0xc2: {  	s0 =	sor.u32 s1, s0  }
0xc3: {  	s0 =	sadd.s32 $0x8F2B, s0  }
0xc4: {  	[sflag:s0] =	ssyncadd.remote.s32 $0x1  }
0xc5: {  	_ =	sfence.sel $0xFFFF  }
0xc6: {  	[dreg:$0x0] =	wrdreg $0xFFFFFFFF;
	(pc) =	sbr.abs _section_cstart, $3  }
0xc7: {  	[dreg:$0x1] =	wrdreg $0xFFFFFFFF  }
0xc8: {  	_ =	task.clear_ibuf [dreg:s8], $0x2FFFF;
	_ =	strace $0x9FFFFFFF  }
0xc9: {  	(tm) =	ssettm $0x7FFFFFFF  }
tec
execute0_lowered:
.L_overlay_start_1:
0x0: {  	(tag) =	ssettag $0x1  }
0x1: {  	s28 =	rddreg [dreg:$0x0]  }
0x2: {  	s1 =	rddreg [dreg:$0x1]  }
0x3: {  	s30 =	rddreg [dreg:$0x2]  }
0x4: {  	s2 =	simm.s32 $0x0;
	s4 =	srdreg.scid;
	s0 =	stileid.u32  }
0x5: {  	s5 =	simm.s32 $0x7;
	[smem:$0x7FF] =	sst s2;
	s3 =	sadd.s32 $0x800, s1  }
0x6: {  	s31 =	sand.u32 $0x1, s4;
	s4 =	simm.s32 $0x18000;
	_ =	strace $0x80000047  }
0x7: {  	[tilespmem:s4], [sflag:$0x7] =	stream.linear.gather [hbm4b:s3+s2], $0x400, $0x38;
	[tilespmem:$0x18400] =	vst v63  }
0x8: {  	s6 =	sshll.u32 s0, $0x10;
	s7 =	sshll.u32 s31, $0xF;
	_ =	swait.ge [sflag:s5], $0x400  }
0x9: {  	s29 =	sor.u32 s7, s6;
	[sflag:s5] =	ssyncset.done $0x0  }
0xa: {  	s6 =	sadd.s32 s28, s29;
	s14 =	sor.u32 $0x1000, s29;
	[sflag:s5] =	ssyncadd.s32 $0xFFFFFC00  }
0xb: {  	[tilespmem:s2], [sflag:$0x1] =	stream.linear.gather [hbm4b:s6+s2], $0x8000, $0x38;
	[tilespmem:$0x18400] =	vst v63  }
0xc: {  	s8 =	simm.s32 $0x8000;
	s9 =	simm.s32 $0x1;
	s7 =	sadd.s32 s28, s14  }
0xd: {  	[tilespmem:s8], [sflag:$0x2] =	stream.linear.gather [hbm4b:s7+s2], $0x8000, $0x38;
	[tilespmem:$0x18400] =	vst v63  }
0xe: {  	_ =	swait.ge [sflag:s9], $0x8000  }
0xf: {  	[sflag:s9] =	ssyncset.done $0x0  }
0x10: {  	s10 =	sadd.s32 s30, s29;
	s18 =	sor.u32 $0x2000, s29;
	[sflag:s9] =	ssyncadd.s32 $0xFFFF8000  }
0x11: {  	[hbm4b:s10+s2] =	stream.linear.scatter [tilespmem:s2], [sflag:$0x4], $0x8000, $0x38;
	[tilespmem:$0x18400] =	vst v63  }
0x12: {  	s12 =	simm.s32 $0x10000;
	s13 =	simm.s32 $0x2;
	s11 =	sadd.s32 s28, s18  }
0x13: {  	[tilespmem:s12], [sflag:$0x3] =	stream.linear.gather [hbm4b:s11+s2], $0x8000, $0x38;
	[tilespmem:$0x18400] =	vst v63  }
0x14: {  	_ =	swait.ge [sflag:s13], $0x8000  }
0x15: {  	[sflag:s13] =	ssyncset.done $0x0  }
0x16: {  	s15 =	simm.s32 $0x4;
	s14 =	sadd.s32 s30, s14;
	[sflag:s13] =	ssyncadd.s32 $0xFFFF8000  }
0x17: {  	[hbm4b:s14+s2] =	stream.linear.scatter [tilespmem:s8], [sflag:$0x5], $0x8000, $0x38;
	[tilespmem:$0x18400] =	vst v63  }
0x18: {  	_ =	swait.ge [sflag:s15], $0x8000  }
0x19: {  	s21 =	sor.u32 $0x3000, s29;
	[sflag:s15] =	ssyncset.done $0x0  }
0x1a: {  	s17 =	simm.s32 $0x3;
	s16 =	sadd.s32 s28, s21;
	[sflag:s15] =	ssyncadd.s32 $0xFFFF8000  }
0x1b: {  	[tilespmem:s2], [sflag:$0x1] =	stream.linear.gather [hbm4b:s16+s2], $0x8000, $0x38;
	[tilespmem:$0x18400] =	vst v63  }
0x1c: {  	_ =	swait.ge [sflag:s17], $0x8000  }
0x1d: {  	[sflag:s17] =	ssyncset.done $0x0  }
0x1e: {  	s19 =	simm.s32 $0x5;
	s18 =	sadd.s32 s30, s18;
	[sflag:s17] =	ssyncadd.s32 $0xFFFF8000  }
0x1f: {  	[hbm4b:s18+s2] =	stream.linear.scatter [tilespmem:s12], [sflag:$0x6], $0x8000, $0x38;
	[tilespmem:$0x18400] =	vst v63  }
0x20: {  	_ =	swait.ge [sflag:s19], $0x8000  }
0x21: {  	s24 =	sor.u32 $0x4000, s29;
	[sflag:s19] =	ssyncset.done $0x0  }
0x22: {  	s20 =	sadd.s32 s28, s24;
	[sflag:s19] =	ssyncadd.s32 $0xFFFF8000  }
0x23: {  	[tilespmem:s8], [sflag:$0x2] =	stream.linear.gather [hbm4b:s20+s2], $0x8000, $0x38;
	[tilespmem:$0x18400] =	vst v63  }
0x24: {  	_ =	swait.ge [sflag:s9], $0x8000  }
0x25: {  	[sflag:s9] =	ssyncset.done $0x0  }
0x26: {  	s22 =	simm.s32 $0x6;
	s21 =	sadd.s32 s30, s21;
	[sflag:s9] =	ssyncadd.s32 $0xFFFF8000  }
0x27: {  	[hbm4b:s21+s2] =	stream.linear.scatter [tilespmem:s2], [sflag:$0x4], $0x8000, $0x38;
	[tilespmem:$0x18400] =	vst v63  }
0x28: {  	_ =	swait.ge [sflag:s22], $0x8000  }
0x29: {  	s26 =	sor.u32 $0x5000, s29;
	[sflag:s22] =	ssyncset.done $0x0  }
0x2a: {  	s23 =	sadd.s32 s28, s26;
	[sflag:s22] =	ssyncadd.s32 $0xFFFF8000  }
0x2b: {  	[tilespmem:s12], [sflag:$0x3] =	stream.linear.gather [hbm4b:s23+s2], $0x8000, $0x38;
	[tilespmem:$0x18400] =	vst v63  }
0x2c: {  	_ =	swait.ge [sflag:s13], $0x8000  }
0x2d: {  	[sflag:s13] =	ssyncset.done $0x0  }
0x2e: {  	s24 =	sadd.s32 s30, s24;
	[sflag:s13] =	ssyncadd.s32 $0xFFFF8000  }
0x2f: {  	[hbm4b:s24+s2] =	stream.linear.scatter [tilespmem:s8], [sflag:$0x5], $0x8000, $0x38;
	[tilespmem:$0x18400] =	vst v63  }
0x30: {  	_ =	swait.ge [sflag:s15], $0x8000  }
0x31: {  	s0 =	sor.u32 $0x6000, s29;
	[sflag:s15] =	ssyncset.done $0x0  }
0x32: {  	s25 =	sadd.s32 s28, s0;
	[sflag:s15] =	ssyncadd.s32 $0xFFFF8000  }
0x33: {  	[tilespmem:s2], [sflag:$0x1] =	stream.linear.gather [hbm4b:s25+s2], $0x8000, $0x38;
	[tilespmem:$0x18400] =	vst v63  }
0x34: {  	_ =	swait.ge [sflag:s17], $0x8000  }
0x35: {  	[sflag:s17] =	ssyncset.done $0x0  }
0x36: {  	s26 =	sadd.s32 s30, s26;
	[sflag:s17] =	ssyncadd.s32 $0xFFFF8000  }
0x37: {  	[hbm4b:s26+s2] =	stream.linear.scatter [tilespmem:s12], [sflag:$0x6], $0x8000, $0x38;
	[tilespmem:$0x18400] =	vst v63  }
0x38: {  	_ =	swait.ge [sflag:s19], $0x8000  }
0x39: {  	s1 =	sor.u32 $0x7000, s29;
	[sflag:s19] =	ssyncset.done $0x0  }
0x3a: {  	s28 =	sadd.s32 s28, s1;
	[sflag:s19] =	ssyncadd.s32 $0xFFFF8000  }
0x3b: {  	[tilespmem:s8], [sflag:$0x2] =	stream.linear.gather [hbm4b:s28+s2], $0x8000, $0x38;
	[tilespmem:$0x18400] =	vst v63  }
0x3c: {  	_ =	swait.ge [sflag:s9], $0x8000  }
0x3d: {  	[sflag:s9] =	ssyncset.done $0x0  }
0x3e: {  	s29 =	sadd.s32 s30, s0;
	[sflag:s9] =	ssyncadd.s32 $0xFFFF8000  }
0x3f: {  	[hbm4b:s29+s2] =	stream.linear.scatter [tilespmem:s2], [sflag:$0x4], $0x8000, $0x38;
	[tilespmem:$0x18400] =	vst v63  }
0x40: {  	_ =	swait.ge [sflag:s13], $0x8000  }
0x41: {  	s0 =	ssub.s32 $0x2, s31;
	[sflag:s13] =	ssyncset.done $0x0  }
0x42: {  	s30 =	sadd.s32 s30, s1;
	s1 =	sshrl.u32 s0, $0x1;
	[sflag:s13] =	ssyncadd.s32 $0xFFFF8000  }
0x43: {  	[hbm4b:s30+s2] =	stream.linear.scatter [tilespmem:s8], [sflag:$0x5], $0x8000, $0x38;
	[tilespmem:$0x18400] =	vst v63  }
0x44: {  	s0 =	ssub.s32 s0, s1;
	_ =	swait.ge [sflag:s15], $0x8000  }
0x45: {  	s0 =	smax.u32 s0, $0x1;
	[sflag:s15] =	ssyncset.done $0x0  }
0x46: {  	p0 =	sne.s32 s0, $0x1;
	[sflag:s15] =	ssyncadd.s32 $0xFFFF8000  }
.Ltmp0:
0x47: {  	_ =	swait.ge [sflag:s19], $0x8000;
	(pc) =	sbr.rel @!p0 .LBB2_2-.Ltmp0, $4  }
0x48: {  	[sflag:s19] =	ssyncset.done $0x0  }
0x49: {  	[sflag:s19] =	ssyncadd.s32 $0xFFFF8000  }
0x4a: {  	_ =	swait.ge [sflag:s22], $0x8000  }
0x4b: {  	s31 =	sadd.s32 $0xFFFFFFFF, s0;
	[sflag:s22] =	ssyncset.done $0x0  }
.LBB2_1:
0x4c: {  	p0 =	sne.s32 s31, $0x1;
	s31 =	sadd.s32 $0xFFFFFFFF, s31;
	[sflag:s22] =	ssyncadd.s32 $0xFFFF8000  }
0x4d: {  	[tilespmem:s4], [sflag:$0x7] =	stream.linear.gather [hbm4b:s3+s2], $0x400, $0x38;
	[tilespmem:$0x18400] =	vst v63  }
0x4e: {  	_ =	swait.ge [sflag:s5], $0x400  }
0x4f: {  	[sflag:s5] =	ssyncset.done $0x0  }
0x50: {  	[sflag:s5] =	ssyncadd.s32 $0xFFFFFC00  }
0x51: {  	[tilespmem:s2], [sflag:$0x1] =	stream.linear.gather [hbm4b:s6+s2], $0x8000, $0x38;
	[tilespmem:$0x18400] =	vst v63  }
0x52: {  	_ = 	snop  }
0x53: {  	[tilespmem:s8], [sflag:$0x2] =	stream.linear.gather [hbm4b:s7+s2], $0x8000, $0x38;
	[tilespmem:$0x18400] =	vst v63  }
0x54: {  	_ =	swait.ge [sflag:s9], $0x8000  }
0x55: {  	[sflag:s9] =	ssyncset.done $0x0  }
0x56: {  	[sflag:s9] =	ssyncadd.s32 $0xFFFF8000  }
0x57: {  	[hbm4b:s10+s2] =	stream.linear.scatter [tilespmem:s2], [sflag:$0x4], $0x8000, $0x38;
	[tilespmem:$0x18400] =	vst v63  }
0x58: {  	_ = 	snop  }
0x59: {  	[tilespmem:s12], [sflag:$0x3] =	stream.linear.gather [hbm4b:s11+s2], $0x8000, $0x38;
	[tilespmem:$0x18400] =	vst v63  }
0x5a: {  	_ =	swait.ge [sflag:s13], $0x8000  }
0x5b: {  	[sflag:s13] =	ssyncset.done $0x0  }
0x5c: {  	[sflag:s13] =	ssyncadd.s32 $0xFFFF8000  }
0x5d: {  	[hbm4b:s14+s2] =	stream.linear.scatter [tilespmem:s8], [sflag:$0x5], $0x8000, $0x38;
	[tilespmem:$0x18400] =	vst v63  }
0x5e: {  	_ =	swait.ge [sflag:s15], $0x8000  }
0x5f: {  	[sflag:s15] =	ssyncset.done $0x0  }
0x60: {  	[sflag:s15] =	ssyncadd.s32 $0xFFFF8000  }
0x61: {  	[tilespmem:s2], [sflag:$0x1] =	stream.linear.gather [hbm4b:s16+s2], $0x8000, $0x38;
	[tilespmem:$0x18400] =	vst v63  }
0x62: {  	_ =	swait.ge [sflag:s17], $0x8000  }
0x63: {  	[sflag:s17] =	ssyncset.done $0x0  }
0x64: {  	[sflag:s17] =	ssyncadd.s32 $0xFFFF8000  }
0x65: {  	[hbm4b:s18+s2] =	stream.linear.scatter [tilespmem:s12], [sflag:$0x6], $0x8000, $0x38;
	[tilespmem:$0x18400] =	vst v63  }
0x66: {  	_ =	swait.ge [sflag:s19], $0x8000  }
0x67: {  	[sflag:s19] =	ssyncset.done $0x0  }
0x68: {  	[sflag:s19] =	ssyncadd.s32 $0xFFFF8000  }
0x69: {  	[tilespmem:s8], [sflag:$0x2] =	stream.linear.gather [hbm4b:s20+s2], $0x8000, $0x38;
	[tilespmem:$0x18400] =	vst v63  }
0x6a: {  	_ =	swait.ge [sflag:s9], $0x8000  }
0x6b: {  	[sflag:s9] =	ssyncset.done $0x0  }
0x6c: {  	[sflag:s9] =	ssyncadd.s32 $0xFFFF8000  }
0x6d: {  	[hbm4b:s21+s2] =	stream.linear.scatter [tilespmem:s2], [sflag:$0x4], $0x8000, $0x38;
	[tilespmem:$0x18400] =	vst v63  }
0x6e: {  	_ =	swait.ge [sflag:s22], $0x8000  }
0x6f: {  	[sflag:s22] =	ssyncset.done $0x0  }
0x70: {  	[sflag:s22] =	ssyncadd.s32 $0xFFFF8000  }
0x71: {  	[tilespmem:s12], [sflag:$0x3] =	stream.linear.gather [hbm4b:s23+s2], $0x8000, $0x38;
	[tilespmem:$0x18400] =	vst v63  }
0x72: {  	_ =	swait.ge [sflag:s13], $0x8000  }
0x73: {  	[sflag:s13] =	ssyncset.done $0x0  }
0x74: {  	[sflag:s13] =	ssyncadd.s32 $0xFFFF8000  }
0x75: {  	[hbm4b:s24+s2] =	stream.linear.scatter [tilespmem:s8], [sflag:$0x5], $0x8000, $0x38;
	[tilespmem:$0x18400] =	vst v63  }
0x76: {  	_ =	swait.ge [sflag:s15], $0x8000  }
0x77: {  	[sflag:s15] =	ssyncset.done $0x0  }
0x78: {  	[sflag:s15] =	ssyncadd.s32 $0xFFFF8000  }
0x79: {  	[tilespmem:s2], [sflag:$0x1] =	stream.linear.gather [hbm4b:s25+s2], $0x8000, $0x38;
	[tilespmem:$0x18400] =	vst v63  }
0x7a: {  	_ =	swait.ge [sflag:s17], $0x8000  }
0x7b: {  	[sflag:s17] =	ssyncset.done $0x0  }
0x7c: {  	[sflag:s17] =	ssyncadd.s32 $0xFFFF8000  }
0x7d: {  	[hbm4b:s26+s2] =	stream.linear.scatter [tilespmem:s12], [sflag:$0x6], $0x8000, $0x38;
	[tilespmem:$0x18400] =	vst v63  }
0x7e: {  	_ =	swait.ge [sflag:s19], $0x8000  }
0x7f: {  	[sflag:s19] =	ssyncset.done $0x0  }
0x80: {  	[sflag:s19] =	ssyncadd.s32 $0xFFFF8000  }
0x81: {  	[tilespmem:s8], [sflag:$0x2] =	stream.linear.gather [hbm4b:s28+s2], $0x8000, $0x38;
	[tilespmem:$0x18400] =	vst v63  }
0x82: {  	_ =	swait.ge [sflag:s9], $0x8000  }
0x83: {  	[sflag:s9] =	ssyncset.done $0x0  }
0x84: {  	[sflag:s9] =	ssyncadd.s32 $0xFFFF8000  }
0x85: {  	[hbm4b:s29+s2] =	stream.linear.scatter [tilespmem:s2], [sflag:$0x4], $0x8000, $0x38;
	[tilespmem:$0x18400] =	vst v63  }
0x86: {  	_ =	swait.ge [sflag:s13], $0x8000  }
0x87: {  	[sflag:s13] =	ssyncset.done $0x0  }
0x88: {  	[sflag:s13] =	ssyncadd.s32 $0xFFFF8000  }
0x89: {  	[hbm4b:s30+s2] =	stream.linear.scatter [tilespmem:s8], [sflag:$0x5], $0x8000, $0x38;
	[tilespmem:$0x18400] =	vst v63  }
0x8a: {  	_ =	swait.ge [sflag:s15], $0x8000  }
0x8b: {  	[sflag:s15] =	ssyncset.done $0x0  }
0x8c: {  	[sflag:s15] =	ssyncadd.s32 $0xFFFF8000  }
.Ltmp1:
0x8d: {  	_ =	swait.ge [sflag:s19], $0x8000;
	(pc) =	sbr.rel @p0 .LBB2_1-.Ltmp1, $4  }
0x8e: {  	[sflag:s19] =	ssyncset.done $0x0  }
0x8f: {  	[sflag:s19] =	ssyncadd.s32 $0xFFFF8000  }
0x90: {  	_ =	swait.ge [sflag:s22], $0x8000  }
0x91: {  	[sflag:s22] =	ssyncset.done $0x0  }
.LBB2_2:
0x92: {  	[sflag:s22] =	ssyncadd.s32 $0xFFFF8000  }
0x93: {  	_ =	sfence.sel $0x180000  }
0x94: {  	[bflag:$0x0] =	sbarrier.arrive $0xFFFF  }
0x95: {  	_ =	strace $0x90000047  }
0x96: {  	s0 =	stileid.u32;
	[bflag:$0x2] =	sbarrier.arrive $0xFFFF  }
0x97: {  	p0 =	sne.s32 s0, $0x0;
	s0 =	rddreg [dreg:$0x3]  }
0x98: {  	s0 =	sadd.s32 @!p0 $0x100000, s0  }
0x99: {  	[sflag:s0] =	ssyncadd.tile.s32 @!p0 $0x1;
	_ =	shalt  }
.Lfunc_end2:
_tile_overlayer_lowered:
.L_overlay_start_2:
0x9a: {  	(tag) =	ssettag $0x2  }
0x9b: {  	s0 =	rddreg [dreg:$0x0];
	s2 =	stileid.u32  }
0x9c: {  	s1 =	rddreg [dreg:$0x1];
	p0 =	sne.s32 s2, $0x0  }
0x9d: {  	s3 =	rddreg [dreg:$0x2];
	[bflag:$0x3] =	sbarrier.arrive $0xFFFF;
	s2 =	simm.s32 @!p0 $0x1C07  }
0x9e: {  	[timem:s3], [sflag:s2] =	dma.local @!p0 [hbm:s0], s1  }
0x9f: {  	s0 =	simm.s32 @!p0 $0x7  }
0xa0: {  	_ =	swait.ge @!p0 [sflag:s0], s1  }
0xa1: {  	s1 =	ssub.s32 @!p0 $0x0, s1;
	[sflag:s0] =	ssyncset.done @!p0 $0x0  }
0xa2: {  	[sflag:s0] =	ssyncadd.s32 @!p0 s1  }
0xa3: {  	[bflag:$0x3] =	sbarrier.arrive $0xFFFF  }
0xa4: {  	_ =	shalt  }

</sc_bundles>
